<compile_context>
chip_gen: v7x
topology: tpu7x:2x2x1
jax: 0.10.2.dev20260603
libtpu: 0.0.44.dev20260713+nightly
codegen_flags: <defaults>
</compile_context>

<pallas_src>
import functools

import jax
import jax.numpy as jnp
from jax import lax
from jax.experimental import pallas as pl
from jax.experimental.pallas import tpu as pltpu
from jax.experimental.pallas import tpu_sc as plsc

_D = 512
_K = 100000
_TOPK = 64
_BK = 2048
_NB = (_K + _BK - 1) // _BK

_NEG_INF = float("-inf")
_INT_MAX = jnp.iinfo(jnp.int32).max


def _simtopk_body(q_ref, keys_ref, idx_ref, sim_buf):
    i = pl.program_id(0)
    q = q_ref[...]
    blk = keys_ref[...]

    dims = (((1,), (1,)), ((), ()))
    dot = lax.dot_general(
        q.astype(jnp.bfloat16), blk.astype(jnp.bfloat16), dims,
        preferred_element_type=jnp.float32)
    ones = jnp.ones((1, _D), jnp.bfloat16)
    sq = blk * blk
    hi = jnp.int32(-65536)
    c1f = lax.bitcast_convert_type(
        lax.bitcast_convert_type(sq, jnp.int32) & hi, jnp.float32)
    r1 = sq - c1f
    c2f = lax.bitcast_convert_type(
        lax.bitcast_convert_type(r1, jnp.int32) & hi, jnp.float32)
    r2 = r1 - c2f
    c1 = c1f.astype(jnp.bfloat16)
    c2 = c2f.astype(jnp.bfloat16)
    c3 = r2.astype(jnp.bfloat16)
    n2 = (lax.dot_general(ones, c1, dims, preferred_element_type=jnp.float32)
          + lax.dot_general(ones, c2, dims, preferred_element_type=jnp.float32)
          + lax.dot_general(ones, c3, dims, preferred_element_type=jnp.float32))


    qn = jnp.sqrt(jnp.sum(q * q))
    denom = jnp.maximum(jnp.sqrt(n2) * qn, 1e-8)
    sim = dot / denom

    col = lax.broadcasted_iota(jnp.int32, (1, _BK), 1)
    gid = i * _BK + col
    sim = jnp.where(gid < _K, sim, _NEG_INF)
    sim_buf[pl.ds(i, 1), :] = sim

    @pl.when(i == _NB - 1)
    def _topk():
        rows = lax.broadcasted_iota(jnp.int32, (_NB, _BK), 0)
        cols1 = lax.broadcasted_iota(jnp.int32, (1, _BK), 1)
        s = sim_buf[...]
        C = jnp.max(s, axis=0, keepdims=True)
        R = jnp.min(jnp.where(s == C, rows, _INT_MAX), axis=0, keepdims=True)
        s2 = jnp.where(rows == R, _NEG_INF, s)
        C2 = jnp.max(s2, axis=0, keepdims=True)
        R2 = jnp.min(jnp.where(s2 == C2, rows, _INT_MAX), axis=0, keepdims=True)

        R2f = R2 + 65536

        def body(t, state):
            C, R = state
            m = jnp.max(C, axis=1, keepdims=True)
            lin2 = ((R & 0xFFFF) * _BK + cols1) * 2 + lax.shift_right_logical(R, 16)
            w2 = jnp.min(jnp.where(C == m, lin2, _INT_MAX))
            w = lax.shift_right_logical(w2, 1)
            idx_ref[t] = w
            c = lax.rem(w, _BK)
            r = lax.div(w, _BK)
            rowvals = sim_buf[pl.ds(r, 1), :]
            iscol = cols1 == c
            sim_buf[pl.ds(r, 1), :] = jnp.where(iscol, _NEG_INF, rowvals)

            def fresh(_):
                return jnp.where(iscol, C2, C), jnp.where(iscol, R2f, R)

            def stale(_):
                ss = sim_buf[...]
                colv = jnp.where(iscol, ss, _NEG_INF)
                m2 = jnp.max(colv)
                r2 = jnp.min(jnp.where(colv == m2, rows, _INT_MAX))
                return (jnp.where(iscol, m2, C),
                        jnp.where(iscol, r2 + 65536, R))

            C_new, R_new = lax.cond(lax.rem(w2, 2) == 0, fresh, stale, 0)
            return (C_new, R_new)

        lax.fori_loop(0, _TOPK, body, (C, R))


def _sim_topk(q2d, keys):
    return pl.pallas_call(
        _simtopk_body,
        grid=(_NB,),
        in_specs=[
            pl.BlockSpec((1, _D), lambda i: (0, 0)),
            pl.BlockSpec((_BK, _D), lambda i: (i, 0)),
        ],
        out_specs=pl.BlockSpec(memory_space=pltpu.SMEM),
        out_shape=jax.ShapeDtypeStruct((_TOPK,), jnp.int32),
        scratch_shapes=[pltpu.VMEM((_NB, _BK), jnp.float32)],
    )(q2d, keys)


_RPW = 8
_ACTIVE = _TOPK // _RPW


def _gather_rows(values, idx):
    mesh = plsc.VectorSubcoreMesh(core_axis_name="c", subcore_axis_name="s")

    @functools.partial(
        pl.kernel,
        mesh=mesh,
        out_type=jax.ShapeDtypeStruct((_TOPK, _D), jnp.float32),
        scratch_types=[
            pltpu.VMEM((_RPW,), jnp.int32),
            pltpu.VMEM((_RPW, _D), jnp.float32),
            pltpu.SemaphoreType.DMA,
        ],
    )
    def k(values_hbm, idx_hbm, out_hbm, idx_v, rows_v, sem):
        wid = lax.axis_index("s") * 2 + lax.axis_index("c")

        @pl.when(wid < _ACTIVE)
        def _():
            base = wid * _RPW
            pltpu.sync_copy(idx_hbm.at[pl.ds(base, _RPW)], idx_v)
            pltpu.async_copy(values_hbm.at[idx_v], rows_v, sem).wait()
            pltpu.sync_copy(rows_v, out_hbm.at[pl.ds(base, _RPW)])

    return k(values, idx)


def kernel(query, topk, keys, values):
    q2d = query.reshape(1, _D)
    idx = _sim_topk(q2d, keys)
    idx = idx + (jnp.asarray(topk, dtype=idx.dtype) - _TOPK)
    return _gather_rows(values, idx)

# --- scband reference (transcript-rebuilt; emitter-appended) ---
"""Pipeline reference for scband-semantic-memory-bank-3126736191704 (READ-ONLY COPY).

The authoritative reference and input builder live on the scoring server;
editing this copy changes nothing except your own understanding.
"""

import jax, jax.numpy as jnp
import numpy as np

D = 512
K = 100000
TOPK = 64

def setup_inputs(seed: int = 0) -> dict:
    key = jax.random.key(seed)
    k1, k2, k3 = jax.random.split(key, 3)
    query = jax.random.normal(k1, (D,), dtype=jnp.float32)
    # Learned/buffered memory bank state (keys/values), sized per max_size x d_model.
    keys = jax.random.normal(k2, (K, D), dtype=jnp.float32)
    values = jax.random.normal(k3, (K, D), dtype=jnp.float32)
    return {"query": query, "topk": TOPK, "keys": keys, "values": values}

def reference(query, topk, keys, values):
    # F.cosine_similarity(query.unsqueeze(0), keys, dim=-1) with eps=1e-8
    dot = keys @ query  # [K]
    denom = jnp.maximum(jnp.linalg.norm(keys, axis=-1) * jnp.linalg.norm(query), 1e-8)
    sim = dot / denom  # [K]
    # k = min(topk, K); here K >= topk so k == topk, no zero-padding branch
    _, idx = jax.lax.top_k(sim, TOPK)
    idx = idx + (jnp.asarray(topk, dtype=idx.dtype) - TOPK)
    vals = jnp.take(values, idx, axis=0)  # [topk, D]
    return vals

if __name__ == "__main__":
    import jax
    _d = setup_inputs()
    print(jax.jit(kernel)(*tuple(_d.values())))

</pallas_src>

<mosaic_0001>
#map = affine_map<(d0, d1) -> (0, 0)>
#map1 = affine_map<(d0, d1) -> (0)>
module attributes {stable_mosaic.version = 14 : i64} {
  func.func @k(%arg0: i32, %arg1: i32, %arg2: memref<100000x512xf32, #tpu.memory_space<hbm>>, %arg3: memref<64xi32, #tpu.memory_space<hbm>>, %arg4: memref<64x512xf32, #tpu.memory_space<hbm>>, %arg5: memref<8xi32, #tpu.memory_space<vmem>>, %arg6: memref<8x512xf32, #tpu.memory_space<vmem>>, %arg7: memref<!tpu.dma_semaphore, #tpu.memory_space<semaphore_mem>>) attributes {dimension_semantics = [#tpu.dimension_semantics<core_parallel>, #tpu.dimension_semantics<subcore_parallel>], iteration_bounds = array<i64: 2, 16>, scalar_prefetch = 0 : i64, scratch_operands = 3 : i64, tpu.core_type = #tpu.core_type<sc_vector_subcore>, window_params = [{transform_indices = #map}, {transform_indices = #map1}, {transform_indices = #map}]} {
    %mul3A = arith.constant 2 : i32
    %mul3A_0 = arith.muli %arg1, %mul3A : i32
    %add3A = arith.addi %mul3A_0, %arg0 : i32
    %lt3A = arith.constant 8 : i32
    %lt3A_1 = arith.cmpi slt, %add3A, %lt3A : i32
    %convert_element_type3A = arith.extui %lt3A_1 : i1 to i32
    %cond3A = arith.constant 0 : i32
    %cond3A_2 = arith.cmpi ne, %convert_element_type3A, %cond3A : i32
    scf.if %cond3A_2 {
      %mul3A_3 = arith.constant 8 : i32
      %mul3A_4 = arith.muli %add3A, %mul3A_3 : i32
      "tpu.region"() ({
        %run_scoped3A = tpu.sem_alloc : memref<!tpu.dma_semaphore, #tpu.memory_space<semaphore_mem>>
        %dma_start3A_9 = tpu.memref_slice %arg3[%mul3A_4] : memref<64xi32, #tpu.memory_space<hbm>> -> memref<8xi32, #tpu.memory_space<hbm>>
        %dma_start3A_10 = tpu.memref_slice %arg3[%mul3A_4] : memref<64xi32, #tpu.memory_space<hbm>> -> memref<8xi32, #tpu.memory_space<hbm>>
        tpu.enqueue_dma source(%dma_start3A_10 : memref<8xi32, #tpu.memory_space<hbm>>) target(%arg5 : memref<8xi32, #tpu.memory_space<vmem>>) target_semaphore(%run_scoped3A : memref<!tpu.dma_semaphore, #tpu.memory_space<semaphore_mem>>)
        %dma_wait3A_11 = tpu.memref_slice %arg3[%mul3A_4] : memref<64xi32, #tpu.memory_space<hbm>> -> memref<8xi32, #tpu.memory_space<hbm>>
        %dma_wait3A_12 = tpu.memref_slice %arg3[%mul3A_4] : memref<64xi32, #tpu.memory_space<hbm>> -> memref<8xi32, #tpu.memory_space<hbm>>
        tpu.wait_dma2 semaphore(%run_scoped3A : memref<!tpu.dma_semaphore, #tpu.memory_space<semaphore_mem>>) src(%dma_wait3A_12 : memref<8xi32, #tpu.memory_space<hbm>>) dst(%arg5 : memref<8xi32, #tpu.memory_space<vmem>>)
        tpu.yield
      }) : () -> ()
      %dma_start3A = arith.constant 0 : i32
      %dma_start3A_5 = arith.constant 0 : i32
      %dma_start3A_6 = tpu.memref_slice %arg2[%dma_start3A, %dma_start3A_5] : memref<100000x512xf32, #tpu.memory_space<hbm>> -> memref<100000x512xf32, #tpu.memory_space<hbm>>
      tpu.enqueue_indirect_dma source(%dma_start3A_6 : memref<100000x512xf32, #tpu.memory_space<hbm>>) target(%arg6 : memref<8x512xf32, #tpu.memory_space<vmem>>) offsets(%arg5 : memref<8xi32, #tpu.memory_space<vmem>>) semaphore(%arg7 : memref<!tpu.dma_semaphore, #tpu.memory_space<semaphore_mem>>)
      %dma_wait3A = arith.constant 0 : i32
      %dma_wait3A_7 = arith.constant 0 : i32
      %dma_wait3A_8 = tpu.memref_slice %arg2[%dma_wait3A, %dma_wait3A_7] : memref<100000x512xf32, #tpu.memory_space<hbm>> -> memref<100000x512xf32, #tpu.memory_space<hbm>>
      tpu.wait_indirect_dma semaphore(%arg7 : memref<!tpu.dma_semaphore, #tpu.memory_space<semaphore_mem>>) src(%dma_wait3A_8 : memref<100000x512xf32, #tpu.memory_space<hbm>>) dst(%arg6 : memref<8x512xf32, #tpu.memory_space<vmem>>)
      "tpu.region"() ({
        %run_scoped3A = tpu.sem_alloc : memref<!tpu.dma_semaphore, #tpu.memory_space<semaphore_mem>>
        %dma_start3A_9 = arith.constant 0 : i32
        %dma_start3A_10 = tpu.memref_slice %arg4[%mul3A_4, %dma_start3A_9] : memref<64x512xf32, #tpu.memory_space<hbm>> -> memref<8x512xf32, #tpu.memory_space<hbm>>
        %dma_start3A_11 = arith.constant 0 : i32
        %dma_start3A_12 = tpu.memref_slice %arg4[%mul3A_4, %dma_start3A_11] : memref<64x512xf32, #tpu.memory_space<hbm>> -> memref<8x512xf32, #tpu.memory_space<hbm>>
        tpu.enqueue_dma source(%arg6 : memref<8x512xf32, #tpu.memory_space<vmem>>) target(%dma_start3A_12 : memref<8x512xf32, #tpu.memory_space<hbm>>) target_semaphore(%run_scoped3A : memref<!tpu.dma_semaphore, #tpu.memory_space<semaphore_mem>>)
        %dma_wait3A_13 = arith.constant 0 : i32
        %dma_wait3A_14 = tpu.memref_slice %arg4[%mul3A_4, %dma_wait3A_13] : memref<64x512xf32, #tpu.memory_space<hbm>> -> memref<8x512xf32, #tpu.memory_space<hbm>>
        %dma_wait3A_15 = arith.constant 0 : i32
        %dma_wait3A_16 = tpu.memref_slice %arg4[%mul3A_4, %dma_wait3A_15] : memref<64x512xf32, #tpu.memory_space<hbm>> -> memref<8x512xf32, #tpu.memory_space<hbm>>
        tpu.wait_dma2 semaphore(%run_scoped3A : memref<!tpu.dma_semaphore, #tpu.memory_space<semaphore_mem>>) src(%arg6 : memref<8x512xf32, #tpu.memory_space<vmem>>) dst(%dma_wait3A_16 : memref<8x512xf32, #tpu.memory_space<hbm>>)
        tpu.yield
      }) : () -> ()
    } else {
    }
    return
  }
}

module attributes {stable_mosaic.version = 14 : i64} {
  func.func @_simtopk_body(%arg0: i32, %arg1: memref<1x512xf32, #tpu.memory_space<vmem>>, %arg2: memref<2048x512xf32, #tpu.memory_space<vmem>>, %arg3: memref<64xi32, #tpu.memory_space<smem>>, %arg4: memref<49x2048xf32, #tpu.memory_space<vmem>>) attributes {dimension_semantics = [#tpu.dimension_semantics<arbitrary>], iteration_bounds = array<i64: 49>, scalar_prefetch = 0 : i64, scratch_operands = 1 : i64, tpu.core_type = #tpu.core_type<tc>, window_params = [{pipeline_mode = #tpu.pipeline_mode<synchronous>, transform_indices = @transform_0, window_bounds = array<i64: 1, 512>}, {transform_indices = @transform_1, window_bounds = array<i64: 2048, 512>}, {transform_indices = @transform_2, window_bounds = array<i64: 64>}]} {
    %get3A = arith.constant 0 : index
    %get3A_0 = arith.constant 0 : index
    %get3A_1 = vector.load %arg1[%get3A, %get3A_0] : memref<1x512xf32, #tpu.memory_space<vmem>>, vector<1x512xf32>
    %get3A_2 = arith.constant 0 : index
    %get3A_3 = arith.constant 0 : index
    %get3A_4 = vector.load %arg2[%get3A_2, %get3A_3] : memref<2048x512xf32, #tpu.memory_space<vmem>>, vector<2048x512xf32>
    %convert_element_type3A = arith.truncf %get3A_1 : vector<1x512xf32> to vector<1x512xbf16>
    %convert_element_type3A_5 = arith.truncf %get3A_4 : vector<2048x512xf32> to vector<2048x512xbf16>
    %dot_general3A = arith.constant dense<0.000000e+00> : vector<1x2048xf32>
    %dot_general3A_6 = tpu.matmul %convert_element_type3A, %convert_element_type3A_5, %dot_general3A {dimension_numbers = #tpu.dot_dimension_numbers<[1], [1], [0], [0], [0, 0, 1, 0], [], []>, transpose_lhs_hint = false} : vector<1x512xbf16>, vector<2048x512xbf16>, vector<1x2048xf32> -> vector<1x2048xf32>
    %broadcast_in_dim3A = arith.constant 1.000000e+00 : bf16
    %broadcast_in_dim3A_7 = vector.broadcast %broadcast_in_dim3A : bf16 to vector<1x512xbf16>
    %mul3A = arith.mulf %get3A_4, %get3A_4 : vector<2048x512xf32>
    %bitcast_convert_type3A = tpu.bitcast %mul3A : vector<2048x512xf32> -> vector<2048x512xi32>
    %and3A = arith.constant -65536 : i32
    %and3A_8 = vector.broadcast %and3A : i32 to vector<2048x512xi32>
    %and3A_9 = arith.andi %bitcast_convert_type3A, %and3A_8 : vector<2048x512xi32>
    %bitcast_convert_type3A_10 = tpu.bitcast %and3A_9 : vector<2048x512xi32> -> vector<2048x512xf32>
    %sub3A = arith.subf %mul3A, %bitcast_convert_type3A_10 : vector<2048x512xf32>
    %bitcast_convert_type3A_11 = tpu.bitcast %sub3A : vector<2048x512xf32> -> vector<2048x512xi32>
    %and3A_12 = arith.constant -65536 : i32
    %and3A_13 = vector.broadcast %and3A_12 : i32 to vector<2048x512xi32>
    %and3A_14 = arith.andi %bitcast_convert_type3A_11, %and3A_13 : vector<2048x512xi32>
    %bitcast_convert_type3A_15 = tpu.bitcast %and3A_14 : vector<2048x512xi32> -> vector<2048x512xf32>
    %sub3A_16 = arith.subf %sub3A, %bitcast_convert_type3A_15 : vector<2048x512xf32>
    %convert_element_type3A_17 = arith.truncf %bitcast_convert_type3A_10 : vector<2048x512xf32> to vector<2048x512xbf16>
    %convert_element_type3A_18 = arith.truncf %bitcast_convert_type3A_15 : vector<2048x512xf32> to vector<2048x512xbf16>
    %convert_element_type3A_19 = arith.truncf %sub3A_16 : vector<2048x512xf32> to vector<2048x512xbf16>
    %dot_general3A_20 = arith.constant dense<0.000000e+00> : vector<1x2048xf32>
    %dot_general3A_21 = tpu.matmul %broadcast_in_dim3A_7, %convert_element_type3A_17, %dot_general3A_20 {dimension_numbers = #tpu.dot_dimension_numbers<[1], [1], [0], [0], [0, 0, 1, 0], [], []>, transpose_lhs_hint = false} : vector<1x512xbf16>, vector<2048x512xbf16>, vector<1x2048xf32> -> vector<1x2048xf32>
    %dot_general3A_22 = arith.constant dense<0.000000e+00> : vector<1x2048xf32>
    %dot_general3A_23 = tpu.matmul %broadcast_in_dim3A_7, %convert_element_type3A_18, %dot_general3A_22 {dimension_numbers = #tpu.dot_dimension_numbers<[1], [1], [0], [0], [0, 0, 1, 0], [], []>, transpose_lhs_hint = false} : vector<1x512xbf16>, vector<2048x512xbf16>, vector<1x2048xf32> -> vector<1x2048xf32>
    %add3A = arith.addf %dot_general3A_21, %dot_general3A_23 : vector<1x2048xf32>
    %dot_general3A_24 = arith.constant dense<0.000000e+00> : vector<1x2048xf32>
    %dot_general3A_25 = tpu.matmul %broadcast_in_dim3A_7, %convert_element_type3A_19, %dot_general3A_24 {dimension_numbers = #tpu.dot_dimension_numbers<[1], [1], [0], [0], [0, 0, 1, 0], [], []>, transpose_lhs_hint = false} : vector<1x512xbf16>, vector<2048x512xbf16>, vector<1x2048xf32> -> vector<1x2048xf32>
    %add3A_26 = arith.addf %add3A, %dot_general3A_25 : vector<1x2048xf32>
    %mul3A_27 = arith.mulf %get3A_1, %get3A_1 : vector<1x512xf32>
    %reduce_sum3A = vector.shape_cast %mul3A_27 : vector<1x512xf32> to vector<1x1x512xf32>
    %reduce_sum3A_28 = arith.constant dense<0.000000e+00> : vector<1xf32>
    %reduce_sum3A_29 = vector.multi_reduction <add>, %reduce_sum3A, %reduce_sum3A_28 [1, 2] : vector<1x1x512xf32> to vector<1xf32>
    %reduce_sum3A_30 = vector.shape_cast %reduce_sum3A_29 : vector<1xf32> to vector<1x1x1xf32>
    %reduce_sum3A_31 = vector.extract %reduce_sum3A_30[0, 0, 0] : f32 from vector<1x1x1xf32>
    %sqrt3A = math.sqrt %reduce_sum3A_31 : f32
    %sqrt3A_32 = math.sqrt %add3A_26 : vector<1x2048xf32>
    %mul3A_33 = vector.broadcast %sqrt3A : f32 to vector<1x2048xf32>
    %mul3A_34 = arith.mulf %sqrt3A_32, %mul3A_33 : vector<1x2048xf32>
    %max3A = arith.constant 9.99999993E-9 : f32
    %max3A_35 = vector.broadcast %max3A : f32 to vector<1x2048xf32>
    %max3A_36 = arith.maximumf %mul3A_34, %max3A_35 : vector<1x2048xf32>
    %div3A = arith.divf %dot_general3A_6, %max3A_36 : vector<1x2048xf32>
    %iota3A = tpu.iota {dimensions = array<i32: 1>} : vector<1x2048xi32>
    %mul3A_37 = arith.constant 2048 : i32
    %mul3A_38 = arith.muli %arg0, %mul3A_37 : i32
    %add3A_39 = vector.broadcast %mul3A_38 : i32 to vector<1x2048xi32>
    %add3A_40 = arith.addi %add3A_39, %iota3A : vector<1x2048xi32>
    %lt3A = arith.constant 100000 : i32
    %lt3A_41 = vector.broadcast %lt3A : i32 to vector<1x2048xi32>
    %lt3A_42 = arith.cmpi slt, %add3A_40, %lt3A_41 : vector<1x2048xi32>
    %jit3A = arith.constant 0xFF800000 : f32
    %broadcast_in_dim3A_43 = vector.broadcast %jit3A : f32 to vector<1x2048xf32>
    %select_n3A = arith.select %lt3A_42, %div3A, %broadcast_in_dim3A_43 : vector<1x2048xi1>, vector<1x2048xf32>
    %swap3A = arith.index_cast %arg0 : i32 to index
    %swap3A_44 = arith.constant 0 : index
    %swap3A_45 = vector.load %arg4[%swap3A, %swap3A_44] : memref<49x2048xf32, #tpu.memory_space<vmem>>, vector<1x2048xf32>
    tpu.vector_store %arg4[%swap3A, %swap3A_44], %select_n3A {strides = array<i32>} : memref<49x2048xf32, #tpu.memory_space<vmem>>, vector<1x2048xf32>,
    %eq3A = arith.constant 48 : i32
    %eq3A_46 = arith.cmpi eq, %arg0, %eq3A : i32
    %convert_element_type3A_47 = arith.extui %eq3A_46 : i1 to i32
    %cond3A = arith.constant 0 : i32
    %cond3A_48 = arith.cmpi ne, %convert_element_type3A_47, %cond3A : i32
    scf.if %cond3A_48 {
      %iota3A_49 = tpu.iota {dimensions = array<i32: 0>} : vector<49x2048xi32>
      %iota3A_50 = tpu.iota {dimensions = array<i32: 1>} : vector<1x2048xi32>
      %get3A_51 = arith.constant 0 : index
      %get3A_52 = arith.constant 0 : index
      %get3A_53 = vector.load %arg4[%get3A_51, %get3A_52] : memref<49x2048xf32, #tpu.memory_space<vmem>>, vector<49x2048xf32>
      %reduce_max3A = arith.constant dense<0xFF800000> : vector<2048xf32>
      %reduce_max3A_54 = vector.multi_reduction <maximumf>, %get3A_53, %reduce_max3A [0] : vector<49x2048xf32> to vector<2048xf32>
      %broadcast_in_dim3A_55 = vector.shape_cast %reduce_max3A_54 : vector<2048xf32> to vector<1x2048xf32>
      %eq3A_56 = vector.broadcast %broadcast_in_dim3A_55 : vector<1x2048xf32> to vector<49x2048xf32>
      %eq3A_57 = arith.cmpf oeq, %get3A_53, %eq3A_56 : vector<49x2048xf32>
      %jit3A_58 = arith.constant 2147483647 : i32
      %broadcast_in_dim3A_59 = vector.broadcast %jit3A_58 : i32 to vector<49x2048xi32>
      %select_n3A_60 = arith.select %eq3A_57, %iota3A_49, %broadcast_in_dim3A_59 : vector<49x2048xi1>, vector<49x2048xi32>
      %reduce_min3A = arith.constant dense<2147483647> : vector<2048xi32>
      %reduce_min3A_61 = vector.multi_reduction <minsi>, %select_n3A_60, %reduce_min3A [0] : vector<49x2048xi32> to vector<2048xi32>
      %broadcast_in_dim3A_62 = vector.shape_cast %reduce_min3A_61 : vector<2048xi32> to vector<1x2048xi32>
      %eq3A_63 = vector.broadcast %broadcast_in_dim3A_62 : vector<1x2048xi32> to vector<49x2048xi32>
      %eq3A_64 = arith.cmpi eq, %iota3A_49, %eq3A_63 : vector<49x2048xi32>
      %jit3A_65 = arith.constant 0xFF800000 : f32
      %broadcast_in_dim3A_66 = vector.broadcast %jit3A_65 : f32 to vector<49x2048xf32>
      %select_n3A_67 = arith.select %eq3A_64, %broadcast_in_dim3A_66, %get3A_53 : vector<49x2048xi1>, vector<49x2048xf32>
      %reduce_max3A_68 = arith.constant dense<0xFF800000> : vector<2048xf32>
      %reduce_max3A_69 = vector.multi_reduction <maximumf>, %select_n3A_67, %reduce_max3A_68 [0] : vector<49x2048xf32> to vector<2048xf32>
      %broadcast_in_dim3A_70 = vector.shape_cast %reduce_max3A_69 : vector<2048xf32> to vector<1x2048xf32>
      %eq3A_71 = vector.broadcast %broadcast_in_dim3A_70 : vector<1x2048xf32> to vector<49x2048xf32>
      %eq3A_72 = arith.cmpf oeq, %select_n3A_67, %eq3A_71 : vector<49x2048xf32>
      %jit3A_73 = arith.constant 2147483647 : i32
      %broadcast_in_dim3A_74 = vector.broadcast %jit3A_73 : i32 to vector<49x2048xi32>
      %select_n3A_75 = arith.select %eq3A_72, %iota3A_49, %broadcast_in_dim3A_74 : vector<49x2048xi1>, vector<49x2048xi32>
      %reduce_min3A_76 = arith.constant dense<2147483647> : vector<2048xi32>
      %reduce_min3A_77 = vector.multi_reduction <minsi>, %select_n3A_75, %reduce_min3A_76 [0] : vector<49x2048xi32> to vector<2048xi32>
      %broadcast_in_dim3A_78 = vector.shape_cast %reduce_min3A_77 : vector<2048xi32> to vector<1x2048xi32>
      %add3A_79 = arith.constant 65536 : i32
      %add3A_80 = vector.broadcast %add3A_79 : i32 to vector<1x2048xi32>
      %add3A_81 = arith.addi %broadcast_in_dim3A_78, %add3A_80 : vector<1x2048xi32>
      %scan3A = arith.constant 0 : i32
      %scan3A_82 = arith.constant 64 : i32
      %scan3A_83 = arith.addi %scan3A, %scan3A_82 : i32
      %scan3A_84 = arith.constant 1 : i32
      %scan3A_85:2 = scf.for %scan3A_87 = %scan3A to %scan3A_83 step %scan3A_84 iter_args(%scan3A_88 = %broadcast_in_dim3A_55, %scan3A_89 = %broadcast_in_dim3A_62) -> (vector<1x2048xf32>, vector<1x2048xi32>)  : i32 {
        %reduce_max3A_90 = arith.constant dense<0xFF800000> : vector<1xf32>
        %reduce_max3A_91 = vector.multi_reduction <maximumf>, %scan3A_88, %reduce_max3A_90 [1] : vector<1x2048xf32> to vector<1xf32>
        %broadcast_in_dim3A_92 = vector.shape_cast %reduce_max3A_91 : vector<1xf32> to vector<1x1xf32>
        %and3A_93 = arith.constant 65535 : i32
        %and3A_94 = vector.broadcast %and3A_93 : i32 to vector<1x2048xi32>
        %and3A_95 = arith.andi %scan3A_89, %and3A_94 : vector<1x2048xi32>
        %mul3A_96 = arith.constant 2048 : i32
        %mul3A_97 = vector.broadcast %mul3A_96 : i32 to vector<1x2048xi32>
        %mul3A_98 = arith.muli %and3A_95, %mul3A_97 : vector<1x2048xi32>
        %add3A_99 = arith.addi %mul3A_98, %iota3A_50 : vector<1x2048xi32>
        %mul3A_100 = arith.constant 2 : i32
        %mul3A_101 = vector.broadcast %mul3A_100 : i32 to vector<1x2048xi32>
        %mul3A_102 = arith.muli %add3A_99, %mul3A_101 : vector<1x2048xi32>
        %shift_right_logical3A = arith.constant 16 : i32
        %shift_right_logical3A_103 = vector.broadcast %shift_right_logical3A : i32 to vector<1x2048xi32>
        %shift_right_logical3A_104 = arith.shrui %scan3A_89, %shift_right_logical3A_103 : vector<1x2048xi32>
        %add3A_105 = arith.addi %mul3A_102, %shift_right_logical3A_104 : vector<1x2048xi32>
        %eq3A_106 = vector.broadcast %broadcast_in_dim3A_92 : vector<1x1xf32> to vector<1x2048xf32>
        %eq3A_107 = arith.cmpf oeq, %scan3A_88, %eq3A_106 : vector<1x2048xf32>
        %jit3A_108 = arith.constant 2147483647 : i32
        %broadcast_in_dim3A_109 = vector.broadcast %jit3A_108 : i32 to vector<1x2048xi32>
        %select_n3A_110 = arith.select %eq3A_107, %add3A_105, %broadcast_in_dim3A_109 : vector<1x2048xi1>, vector<1x2048xi32>
        %reduce_min3A_111 = vector.shape_cast %select_n3A_110 : vector<1x2048xi32> to vector<1x1x2048xi32>
        %reduce_min3A_112 = arith.constant dense<2147483647> : vector<1xi32>
        %reduce_min3A_113 = vector.multi_reduction <minsi>, %reduce_min3A_111, %reduce_min3A_112 [1, 2] : vector<1x1x2048xi32> to vector<1xi32>
        %reduce_min3A_114 = vector.shape_cast %reduce_min3A_113 : vector<1xi32> to vector<1x1x1xi32>
        %reduce_min3A_115 = vector.extract %reduce_min3A_114[0, 0, 0] : i32 from vector<1x1x1xi32>
        %shift_right_logical3A_116 = arith.constant 1 : i32
        %shift_right_logical3A_117 = arith.shrui %reduce_min3A_115, %shift_right_logical3A_116 : i32
        %swap3A_118 = arith.index_cast %scan3A_87 : i32 to index
        %swap3A_119 = memref.load %arg3[%swap3A_118] : memref<64xi32, #tpu.memory_space<smem>>
        memref.store %shift_right_logical3A_117, %arg3[%swap3A_118] : memref<64xi32, #tpu.memory_space<smem>>
        %rem3A = arith.constant 2048 : i32
        %rem3A_120 = arith.remsi %shift_right_logical3A_117, %rem3A : i32
        %div3A_121 = arith.constant 2048 : i32
        %div3A_122 = arith.divsi %shift_right_logical3A_117, %div3A_121 : i32
        %get3A_123 = arith.index_cast %div3A_122 : i32 to index
        %get3A_124 = arith.constant 0 : index
        %get3A_125 = vector.load %arg4[%get3A_123, %get3A_124] : memref<49x2048xf32, #tpu.memory_space<vmem>>, vector<1x2048xf32>
        %eq3A_126 = vector.broadcast %rem3A_120 : i32 to vector<1x2048xi32>
        %eq3A_127 = arith.cmpi eq, %iota3A_50, %eq3A_126 : vector<1x2048xi32>
        %jit3A_128 = arith.constant 0xFF800000 : f32
        %broadcast_in_dim3A_129 = vector.broadcast %jit3A_128 : f32 to vector<1x2048xf32>
        %select_n3A_130 = arith.select %eq3A_127, %broadcast_in_dim3A_129, %get3A_125 : vector<1x2048xi1>, vector<1x2048xf32>
        %swap3A_131 = arith.index_cast %div3A_122 : i32 to index
        %swap3A_132 = arith.constant 0 : index
        %swap3A_133 = vector.load %arg4[%swap3A_131, %swap3A_132] : memref<49x2048xf32, #tpu.memory_space<vmem>>, vector<1x2048xf32>
        tpu.vector_store %arg4[%swap3A_131, %swap3A_132], %select_n3A_130 {strides = array<i32>} : memref<49x2048xf32, #tpu.memory_space<vmem>>, vector<1x2048xf32>,
        %rem3A_134 = arith.constant 2 : i32
        %rem3A_135 = arith.remsi %reduce_min3A_115, %rem3A_134 : i32
        %eq3A_136 = arith.constant 0 : i32
        %eq3A_137 = arith.cmpi eq, %rem3A_135, %eq3A_136 : i32
        %convert_element_type3A_138 = arith.extui %eq3A_137 : i1 to i32
        %cond3A_139 = arith.constant 0 : i32
        %cond3A_140 = arith.cmpi ne, %convert_element_type3A_138, %cond3A_139 : i32
        %cond3A_141:2 = scf.if %cond3A_140 -> (vector<1x2048xf32>, vector<1x2048xi32>) {
          %select_n3A_142 = arith.select %eq3A_127, %broadcast_in_dim3A_70, %scan3A_88 : vector<1x2048xi1>, vector<1x2048xf32>
          %select_n3A_143 = arith.select %eq3A_127, %add3A_81, %scan3A_89 : vector<1x2048xi1>, vector<1x2048xi32>
          scf.yield %select_n3A_142, %select_n3A_143 : vector<1x2048xf32>, vector<1x2048xi32>
        } else {
          %get3A_142 = arith.constant 0 : index
          %get3A_143 = arith.constant 0 : index
          %get3A_144 = vector.load %arg4[%get3A_142, %get3A_143] : memref<49x2048xf32, #tpu.memory_space<vmem>>, vector<49x2048xf32>
          %jit3A_145 = arith.constant 0xFF800000 : f32
          %broadcast_in_dim3A_146 = vector.shape_cast %eq3A_127 : vector<1x2048xi1> to vector<1x2048xi1>
          %broadcast_in_dim3A_147 = vector.broadcast %broadcast_in_dim3A_146 : vector<1x2048xi1> to vector<49x2048xi1>
          %broadcast_in_dim3A_148 = vector.broadcast %jit3A_145 : f32 to vector<49x2048xf32>
          %select_n3A_149 = arith.select %broadcast_in_dim3A_147, %get3A_144, %broadcast_in_dim3A_148 : vector<49x2048xi1>, vector<49x2048xf32>
          %reduce_max3A_150 = vector.shape_cast %select_n3A_149 : vector<49x2048xf32> to vector<1x49x2048xf32>
          %reduce_max3A_151 = arith.constant dense<0xFF800000> : vector<1xf32>
          %reduce_max3A_152 = vector.multi_reduction <maximumf>, %reduce_max3A_150, %reduce_max3A_151 [1, 2] : vector<1x49x2048xf32> to vector<1xf32>
          %reduce_max3A_153 = vector.shape_cast %reduce_max3A_152 : vector<1xf32> to vector<1x1x1xf32>
          %reduce_max3A_154 = vector.extract %reduce_max3A_153[0, 0, 0] : f32 from vector<1x1x1xf32>
          %eq3A_155 = vector.broadcast %reduce_max3A_154 : f32 to vector<49x2048xf32>
          %eq3A_156 = arith.cmpf oeq, %select_n3A_149, %eq3A_155 : vector<49x2048xf32>
          %jit3A_157 = arith.constant 2147483647 : i32
          %broadcast_in_dim3A_158 = vector.broadcast %jit3A_157 : i32 to vector<49x2048xi32>
          %select_n3A_159 = arith.select %eq3A_156, %iota3A_49, %broadcast_in_dim3A_158 : vector<49x2048xi1>, vector<49x2048xi32>
          %reduce_min3A_160 = vector.shape_cast %select_n3A_159 : vector<49x2048xi32> to vector<1x49x2048xi32>
          %reduce_min3A_161 = arith.constant dense<2147483647> : vector<1xi32>
          %reduce_min3A_162 = vector.multi_reduction <minsi>, %reduce_min3A_160, %reduce_min3A_161 [1, 2] : vector<1x49x2048xi32> to vector<1xi32>
          %reduce_min3A_163 = vector.shape_cast %reduce_min3A_162 : vector<1xi32> to vector<1x1x1xi32>
          %reduce_min3A_164 = vector.extract %reduce_min3A_163[0, 0, 0] : i32 from vector<1x1x1xi32>
          %broadcast_in_dim3A_165 = vector.broadcast %reduce_max3A_154 : f32 to vector<1x2048xf32>
          %select_n3A_166 = arith.select %eq3A_127, %broadcast_in_dim3A_165, %scan3A_88 : vector<1x2048xi1>, vector<1x2048xf32>
          %add3A_167 = arith.constant 65536 : i32
          %add3A_168 = arith.addi %reduce_min3A_164, %add3A_167 : i32
          %broadcast_in_dim3A_169 = vector.broadcast %add3A_168 : i32 to vector<1x2048xi32>
          %select_n3A_170 = arith.select %eq3A_127, %broadcast_in_dim3A_169, %scan3A_89 : vector<1x2048xi1>, vector<1x2048xi32>
          scf.yield %select_n3A_166, %select_n3A_170 : vector<1x2048xf32>, vector<1x2048xi32>
        }
        scf.yield %cond3A_141#0, %cond3A_141#1 : vector<1x2048xf32>, vector<1x2048xi32>
      }
      %scan3A_86 = arith.constant 64 : i32
    } else {
    }
    return
  }
  func.func @transform_0(%arg0: i32) -> (i32, i32) {
    %c0_i32 = arith.constant 0 : i32
    %c0_i32_0 = arith.constant 0 : i32
    %c0_i32_1 = arith.constant 0 : i32
    return %c0_i32, %c0_i32_0 : i32, i32
  }
  func.func @transform_1(%arg0: i32) -> (i32, i32) {
    %c0_i32 = arith.constant 0 : i32
    %c0_i32_0 = arith.constant 0 : i32
    return %arg0, %c0_i32 : i32, i32
  }
  func.func @transform_2(%arg0: i32) -> i32 {
    %c0_i32 = arith.constant 0 : i32
    %c0_i32_0 = arith.constant 0 : i32
    return %c0_i32 : i32
  }
}

</mosaic_0001>

<sc_bundles>
// kernel: kernel.4.cloned.1.call-start
scs
__scs_entry_jumppad:
0x0: {  	(pc) =	sbr.rel $0x88, $3  }
0x1: {  	(tag) =	ssettag $0x0;
	lr =	simm.s32 $0x1  }
0x2: {  	[smem:$0x3F9D] =	sst lr;
	_ =	strace $0xD0000000  }
0x3: {  	_ = 	snop  }
0x4: {  	_ = 	snop  }
0x5: {  	_ = 	snop  }
0x6: {  	_ = 	snop  }
0x7: {  	_ = 	snop  }
__scs_overlays_trampoline_lowered:
0x8: {  	[smem:$0x3FAC] =	sst s0  }
0x9: {  	[smem:$0x3FAD] =	sst s1  }
0xa: {  	[smem:$0x3FAE] =	sst s2  }
0xb: {  	[smem:$0x3FAF] =	sst s3  }
0xc: {  	[smem:$0x3FB0] =	sst s4  }
0xd: {  	[smem:$0x3FB1] =	sst s5  }
0xe: {  	[smem:$0x3FB2] =	sst s6  }
0xf: {  	[smem:$0x3FB3] =	sst s7  }
0x10: {  	[smem:$0x3FB4] =	sst s8  }
0x11: {  	[smem:$0x3FB5] =	sst s9;
	s0 =	simm.s32 @!p0 $0x0  }
0x12: {  	s1 =	sld [smem:$0x3F9B];
	s0 =	simm.s32 @p0 $0x1  }
0x13: {  	[smem:$0x3FB6] =	sst s0;
	s0 =	simm.s32 @!p1 $0x0  }
0x14: {  	s2 =	sld [smem:$0x3F9A];
	s0 =	simm.s32 @p1 $0x1  }
0x15: {  	[smem:$0x3FB7] =	sst s0;
	s0 =	simm.s32 @!p2 $0x0  }
0x16: {  	s3 =	sld [smem:$0x3FDB];
	s0 =	simm.s32 @p2 $0x1  }
0x17: {  	s4 =	simm.s32 $0x1BF5;
	[smem:$0x3FB9] =	sst s0  }
0x18: {  	s0 =	sld [smem:$0x3F9C];
	_ =	swait.ge [sflag:s4], $0x0  }
0x19: {  	s7 =	sld [smem:$0x3F9D]  }
0x1a: {  	s8 =	sadd.s32 $0xFFFFE003, lr  }
0x1b: {  	s9 =	sadd.s32 $0xFFFFFEF7, lr;
	s5 =	simm.s32 $0xFFFFFFFF;
	p2 =	slt.u32 s8, $0xFFFFF086  }
0x1c: {  	p1 =	slt.u32 s9, $0xF7A;
	s5 =	simm.s32 @!p2 $0x0  }
0x1d: {  	s5 =	simm.s32 @p1 $0x1;
	p0 =	seq.s32 s7, s2  }
0x1e: {  	s7 =	smul.u32 @!p0 $0xF7A, s2;
	p2 =	seq.s32 @!p0 s5, $0x0  }
0x1f: {  	s9 =	smul.u32 $0xF7A, s1;
	s8 =	simm.s32 @!p0 $0x1BF5;
	p2 =	por !p2, p0  }
0x20: {  	[sflag:s8] =	ssyncset.s32 @!p0 $0xFFFFF086;
	s6 =	sadd.s32 @!p0 s3, s7;
	s7 =	simm.s32 @!p0 $0x108  }
0x21: {  	s3 =	sadd.s32 s3, s9;
	s6 =	sadd.s32 @!p0 $0x88, s6;
	s7 =	simm.s32 @p2 $0x1082  }
0x22: {  	[simem:s7], [sflag:s8] =	dma.local @!p0 [hbm:s6], $0xF7A  }
0x23: {  	s9 =	sor.u32 $0xD0000000, s2;
	s6 =	simm.s32 $0x108;
	_ =	swait.ge @!p0 [sflag:s8], $0x0  }
0x24: {  	s3 =	sadd.s32 $0x88, s3;
	s6 =	simm.s32 @!p1 $0x1082;
	[sflag:s4] =	ssyncset.s32 $0xFFFFF086  }
0x25: {  	[simem:s6], [sflag:s4] =	dma.local [hbm:s3], $0xF7A  }
0x26: {  	[smem:$0x3F9D] =	sst s1;
	(tag) =	ssettag s2;
	_ =	strace s9  }
0x27: {  	s1 =	sld [smem:$0x3FAD]  }
0x28: {  	s2 =	sld [smem:$0x3FAE]  }
0x29: {  	s4 =	sld [smem:$0x3FB0]  }
0x2a: {  	p0 =	seq.s32 s5, $0x0;
	s5 =	sld [smem:$0x3FB1]  }
0x2b: {  	s6 =	sld [smem:$0x3FB2]  }
0x2c: {  	s7 =	sld [smem:$0x3FB3]  }
0x2d: {  	s3 =	simm.s32 $0x108;
	s8 =	sld [smem:$0x3FB4]  }
0x2e: {  	s3 =	simm.s32 @!p0 $0x1082;
	s9 =	sld [smem:$0x3FB5]  }
0x2f: {  	lr =	sadd.s32 s0, s3;
	s0 =	sld [smem:$0x3FAC]  }
0x30: {  	s3 =	sld [smem:$0x3FAF]  }
0x31: {  	[smem:$0x3FB8] =	sst s10  }
0x32: {  	s10 =	sld [smem:$0x3FB6];
	_ =	sdelay $0x3  }
0x33: {  	p0 =	seq.s32 s10, $0x1;
	s10 =	sld [smem:$0x3FB8];
	_ =	sdelay $0x3  }
0x34: {  	[smem:$0x3FB8] =	sst s10  }
0x35: {  	s10 =	sld [smem:$0x3FB7];
	_ =	sdelay $0x3  }
0x36: {  	p1 =	seq.s32 s10, $0x1;
	s10 =	sld [smem:$0x3FB8];
	_ =	sdelay $0x3  }
0x37: {  	[smem:$0x3FB8] =	sst s10  }
0x38: {  	s10 =	sld [smem:$0x3FB9]  }
0x39: {  	_ = 	snop;
	(pc) =	sbr.ind lr, $3  }
0x3a: {  	_ = 	snop  }
0x3b: {  	_ = 	snop  }
0x3c: {  	p2 =	seq.s32 s10, $0x1;
	s10 =	sld [smem:$0x3FB8]  }
0x3d: {  	_ =	shalt  }
0x3e: {  	_ =	shalt  }
0x3f: {  	_ =	shalt  }
0x40: {  	_ =	shalt  }
0x41: {  	_ =	shalt  }
0x42: {  	_ =	shalt  }
0x43: {  	_ =	shalt  }
0x44: {  	_ =	shalt  }
0x45: {  	_ =	shalt  }
0x46: {  	_ =	shalt  }
0x47: {  	_ =	shalt  }
0x48: {  	_ =	shalt  }
0x49: {  	_ =	shalt  }
0x4a: {  	_ =	shalt  }
0x4b: {  	_ =	shalt  }
0x4c: {  	_ =	shalt  }
0x4d: {  	_ =	shalt  }
0x4e: {  	_ =	shalt  }
0x4f: {  	_ =	shalt  }
0x50: {  	_ =	shalt  }
0x51: {  	_ =	shalt  }
0x52: {  	_ =	shalt  }
0x53: {  	_ =	shalt  }
0x54: {  	_ =	shalt  }
0x55: {  	_ =	shalt  }
0x56: {  	_ =	shalt  }
0x57: {  	_ =	shalt  }
0x58: {  	_ =	shalt  }
0x59: {  	_ =	shalt  }
0x5a: {  	_ =	shalt  }
0x5b: {  	_ =	shalt  }
0x5c: {  	_ =	shalt  }
0x5d: {  	_ =	shalt  }
0x5e: {  	_ =	shalt  }
0x5f: {  	_ =	shalt  }
0x60: {  	_ =	shalt  }
0x61: {  	_ =	shalt  }
0x62: {  	_ =	shalt  }
0x63: {  	_ =	shalt  }
0x64: {  	_ =	shalt  }
0x65: {  	_ =	shalt  }
0x66: {  	_ =	shalt  }
0x67: {  	_ =	shalt  }
0x68: {  	_ =	shalt  }
0x69: {  	_ =	shalt  }
0x6a: {  	_ =	shalt  }
0x6b: {  	_ =	shalt  }
0x6c: {  	_ =	shalt  }
0x6d: {  	_ =	shalt  }
0x6e: {  	_ =	shalt  }
0x6f: {  	_ =	shalt  }
0x70: {  	_ =	shalt  }
0x71: {  	_ =	shalt  }
0x72: {  	_ =	shalt  }
0x73: {  	_ =	shalt  }
0x74: {  	_ =	shalt  }
0x75: {  	_ =	shalt  }
0x76: {  	_ =	shalt  }
0x77: {  	_ =	shalt  }
0x78: {  	_ =	shalt  }
0x79: {  	_ =	shalt  }
0x7a: {  	_ =	shalt  }
0x7b: {  	_ =	shalt  }
0x7c: {  	_ =	shalt  }
0x7d: {  	_ =	shalt  }
0x7e: {  	_ =	shalt  }
0x7f: {  	_ =	shalt  }
0x80: {  	_ =	shalt  }
0x81: {  	_ =	shalt  }
0x82: {  	_ =	shalt  }
0x83: {  	_ =	shalt  }
0x84: {  	_ =	shalt  }
0x85: {  	_ =	shalt  }
0x86: {  	_ =	shalt  }
0x87: {  	_ =	shalt  }
.Lfunc_end0:
.L_simem_size_0:
called_computation_lowered:
.L_overlay_start_0:
0x88: {  	s2 =	sld [smem:$0x3FD9]  }
0x89: {  	s3 =	sld [smem:$0x3FFE];
	_ =	sdelay $0x1  }
0x8a: {  	s1 =	srdreg.scid  }
0x8b: {  	s0 =	sand.u32 $0x1, s1  }
0x8c: {  	s17 =	sshll.u32 s0, $0xA;
	s2 =	sadd.s32 s3, s2  }
0x8d: {  	s2 =	sadd.s32 s2, s17  }
0x8e: {  	[smem:$0x3FC4] =	sst s2  }
0x8f: {  	_ = 	snop  }
0x90: {  	s2 =	sld [smem:$0x3FC6]  }
0x91: {  	s18 =	sld [smem:$0x3FD0];
	(tm) =	ssettm $0x1  }
0x92: {  	s4 =	sld [smem:$0x3FFB];
	_ =	sdelay $0x3  }
0x93: {  	_ =	strace s4  }
0x94: {  	s4 =	sld [smem:$0x3FFC];
	_ =	sdelay $0x3  }
0x95: {  	_ =	strace s4  }
0x96: {  	s4 =	sld [smem:$0x3FFD];
	_ =	sdelay $0x3  }
0x97: {  	_ =	strace s4  }
0x98: {  	_ =	strace $0x8FFFFFFF  }
0x99: {  	s19 =	sld [smem:$0x3FDB];
	_ =	sdelay $0x1  }
0x9a: {  	s5 =	simm.s32 $_scs_section_size  }
0x9b: {  	s6 =	simm.s32 $_size__tile_overlayer_lowered;
	s7 =	simm.s32 $_tile_overlayer_lowered  }
0x9c: {  	s22 =	simm.s32 $0x1BFF;
	s21 =	sshll.u32 s7, $0x1;
	s4 =	sadd.s32 s5, s19  }
0x9d: {  	s8 =	simm.s32 $0x0;
	s20 =	sshll.u32 s6, $0x1;
	s6 =	sadd.s32 s21, s4  }
0x9e: {  	[timem:s8], [sflag:s22] =	dma.local [hbm:s6], s20  }
0x9f: {  	_ =	swait.ge [sflag:s22], s20  }
0xa0: {  	s5 =	ssub.s32 $0x0, s20;
	[sflag:s22] =	ssyncset.done $0x0  }
0xa1: {  	[sflag:s22] =	ssyncadd.s32 s5;
	_ =	sdelay $0x1  }
0xa2: {  	s23 =	simm.s32 $0x1B8B  }
0xa3: {  	_ =	swait.ge [sflag:s23], $0x1  }
0xa4: {  	[sflag:s23] =	ssyncset.done $0x0  }
0xa5: {  	s25 =	simm.s32 $0x1B8E;
	s24 =	sld [smem:$0x3FFE];
	[sflag:s23] =	ssyncadd.s32 $0xFFFFFFFF  }
0xa6: {  	s26 =	simm.s32 $execute0_lowered;
	[smem:$0x3FD2] =	sst s25  }
0xa7: {  	s6 =	sshll.u32 s26, $0x1;
	_ =	strace $0x80000046;
	[dreg:$0x1] =	wrdreg $0xFFFFFFFF  }
0xa8: {  	s28 =	simm.s32 $_size_execute0_lowered;
	s4 =	sadd.s32 s4, s6;
	[dreg:$0x0] =	wrdreg $0x0  }
0xa9: {  	s6 =	sshll.u32 s28, $0x1;
	[dreg:$0x2] =	wrdreg s4  }
0xaa: {  	[dreg:$0x3] =	wrdreg s6  }
0xab: {  	[dreg:$0x4] =	wrdreg $0xC0  }
0xac: {  	_ =	task [dreg:s8], $0x5FFFF  }
0xad: {  	[dreg:$0x1] =	wrdreg $0xFFFFFFFF  }
0xae: {  	[dreg:$0x0] =	wrdreg $0x60  }
0xaf: {  	[dreg:$0x2] =	wrdreg s2  }
0xb0: {  	[dreg:$0x3] =	wrdreg s24  }
0xb1: {  	[dreg:$0x4] =	wrdreg s18  }
0xb2: {  	[dreg:$0x5] =	wrdreg $0x9  }
0xb3: {  	_ =	task.clear_ibuf [dreg:s8], $0x6FFFF;
	_ =	strace $0x90000046  }
0xb4: {  	s29 =	simm.s32 $0x9;
	_ =	strace $0x80000048  }
0xb5: {  	_ =	swait.ge [sflag:s29], $0x1  }
0xb6: {  	[sflag:s29] =	ssyncadd.s32 $0xFFFFFFFF  }
0xb7: {  	_ =	strace $0x90000048  }
0xb8: {  	_ =	sfence  }
0xb9: {  	s30 =	sld [smem:$0x0];
	_ =	sdelay $0x2  }
0xba: {  	s31 =	sshll.u32 s1, $0xD;
	s1 =	sshrl.u32 s1, $0x2  }
0xbb: {  	s3 =	sand.u32 $0x4000, s31;
	s1 =	sadd.s32 s1, s30  }
0xbc: {  	s0 =	sor.u32 s3, s0;
	s1 =	sshll.u32 s1, $0x11  }
0xbd: {  	s0 =	sor.u32 s1, s0  }
0xbe: {  	s0 =	sadd.s32 $0x8F2B, s0  }
0xbf: {  	[sflag:s0] =	ssyncadd.remote.s32 $0x1  }
0xc0: {  	_ =	sfence.sel $0xFFFF  }
0xc1: {  	[dreg:$0x0] =	wrdreg $0xFFFFFFFF;
	(pc) =	sbr.abs _section_cstart, $3  }
0xc2: {  	[dreg:$0x1] =	wrdreg $0xFFFFFFFF  }
0xc3: {  	_ =	task.clear_ibuf [dreg:s8], $0x2FFFF;
	_ =	strace $0x9FFFFFFF  }
0xc4: {  	(tm) =	ssettm $0x7FFFFFFF  }
0xc5: {  	_ =	shalt  }
tec
execute0_lowered:
.L_overlay_start_1:
0x0: {  	(tag) =	ssettag $0x1  }
0x1: {  	s1 =	stileid.u32  }
0x2: {  	p0 =	sgt.u32 s1, $0x3  }
.Ltmp0:
0x3: {  	s2 =	rddreg [dreg:$0x0];
	(pc) =	sbr.rel @p0 .LBB2_4-.Ltmp0, $4  }
0x4: {  	s4 =	rddreg [dreg:$0x1]  }
0x5: {  	s10 =	rddreg [dreg:$0x2];
	s3 =	simm.s32 $0x0  }
0x6: {  	[smem:$0x7FF] =	sst s3  }
0x7: {  	s0 =	rddreg [dreg:$0x3];
	_ =	strace $0x80000047  }
0x8: {  	s5 =	srdreg.scid  }
0x9: {  	s30 =	sshll.u32 s1, $0x1;
	s8 =	sand.u32 $0x1, s5  }
0xa: {  	s4 =	sadd.s32 $0x600, s4;
	s11 =	sor.u32 s8, s30  }
0xb: {  	s5 =	sadd.s32 s4, s11;
	s4 =	simm.s32 $0x2  }
0xc: {  	[tilespmem:s3], [sflag:$0x2] =	stream.linear.gather [hbm4b:s5+s3], $0x8, $0x38;
	[tilespmem:$0x1080] =	vst v63  }
0xd: {  	_ =	swait.ge [sflag:s4], $0x8  }
0xe: {  	[sflag:s4] =	ssyncset.done $0x0  }
0xf: {  	[sflag:s4] =	ssyncadd.s32 $0xFFFFFFF8  }
0x10: {  	v0 =	vld.msk [tilespmem:$0x0], $0xff;
	_ =	sdelay $0x4  }
0x11: {  	v1 =	vshll.u32 v0, $0x2  }
0x12: {  	v2 =	vlaneseq.u32;
	v3 =	vand.u32 $0x7, v0;
	v1 =	vand.u32 $0xFFFFFFE0, v1  }
0x13: {  	v0 =	vand.u32 $0x7, v2;
	v2 =	vshrl.u32 v2, $0x3;
	v3 =	vor.u32 v3, v1  }
0x14: {  	v1 =	vmul.u32 $0x8, v2;
	v2 =	vperm.xlane v3, v0;
	_ =	sdelay $0x1  }
0x15: {  	v2 =	vadd.s32 v1, v2;
	_ =	sdelay $0x1  }
0x16: {  	s12 =	ssub.s32 $0x2, s8  }
0x17: {  	s13 =	sshrl.u32 s12, $0x1  }
0x18: {  	s6 =	sadd.s32 $0x100, s2;
	vm0 =	vmmov $0xffff;
	s7 =	simm.s32 $0x80;
	s12 =	ssub.s32 s12, s13  }
0x19: {  	[tilespmem:s7], [sflag:$0x1] =	stream.indirect_vreg.gather [hbm4b:s2+s3], $0x80, v2, vm0, $0xb8;
	[tilespmem:$0x1080] =	vst v63  }
0x1a: {  	s9 =	simm.s32 $0x1;
	s8 =	simm.s32 $0x880;
	s31 =	smax.u32 s12, $0x1  }
0x1b: {  	[tilespmem:s8], [sflag:$0x1] =	stream.indirect_vreg.gather [hbm4b:s6+s3], $0x80, v2, vm0, $0xb8;
	[tilespmem:$0x1080] =	vst v63  }
0x1c: {  	p0 =	sne.s32 s31, $0x1;
	_ =	swait.ge [sflag:s9], $0x1000  }
.Ltmp1:
0x1d: {  	s11 =	sshll.u32 s11, $0x9;
	[sflag:s9] =	ssyncset.done $0x0;
	(pc) =	sbr.rel @!p0 .LBB2_3-.Ltmp1, $4  }
0x1e: {  	s10 =	sadd.s32 s10, s11;
	[sflag:s9] =	ssyncadd.s32 $0xFFFFF000  }
0x1f: {  	[hbm4b:s10+s3] =	stream.linear.scatter [tilespmem:s7], [sflag:$0x2], $0x1000, $0x38;
	[tilespmem:$0x1080] =	vst v63  }
0x20: {  	_ =	swait.ge [sflag:s4], $0x1000  }
0x21: {  	s11 =	sadd.s32 $0xFFFFFFFF, s31;
	[sflag:s4] =	ssyncset.done $0x0  }
.LBB2_2:
0x22: {  	p0 =	sne.s32 s11, $0x1;
	s11 =	sadd.s32 $0xFFFFFFFF, s11;
	[sflag:s4] =	ssyncadd.s32 $0xFFFFF000  }
0x23: {  	[tilespmem:s3], [sflag:$0x2] =	stream.linear.gather [hbm4b:s5+s3], $0x8, $0x38;
	[tilespmem:$0x1080] =	vst v63  }
0x24: {  	_ =	swait.ge [sflag:s4], $0x8  }
0x25: {  	[sflag:s4] =	ssyncset.done $0x0  }
0x26: {  	[sflag:s4] =	ssyncadd.s32 $0xFFFFFFF8  }
0x27: {  	v2 =	vld.msk [tilespmem:$0x0], $0xff;
	_ =	sdelay $0x4  }
0x28: {  	v3 =	vshll.u32 v2, $0x2  }
0x29: {  	v2 =	vand.u32 $0x7, v2;
	v3 =	vand.u32 $0xFFFFFFE0, v3  }
0x2a: {  	v2 =	vor.u32 v2, v3  }
0x2b: {  	v2 =	vperm.xlane v2, v0;
	_ =	sdelay $0x1  }
0x2c: {  	v2 =	vadd.s32 v1, v2;
	_ =	sdelay $0x4  }
0x2d: {  	[tilespmem:s7], [sflag:$0x1] =	stream.indirect_vreg.gather [hbm4b:s2+s3], $0x80, v2, vm0, $0xb8;
	[tilespmem:$0x1080] =	vst v63  }
0x2e: {  	_ = 	snop  }
0x2f: {  	[tilespmem:s8], [sflag:$0x1] =	stream.indirect_vreg.gather [hbm4b:s6+s3], $0x80, v2, vm0, $0xb8;
	[tilespmem:$0x1080] =	vst v63  }
0x30: {  	_ =	swait.ge [sflag:s9], $0x1000  }
.Ltmp2:
0x31: {  	[sflag:s9] =	ssyncset.done $0x0;
	(pc) =	sbr.rel @p0 .LBB2_2-.Ltmp2, $4  }
0x32: {  	[sflag:s9] =	ssyncadd.s32 $0xFFFFF000  }
0x33: {  	[hbm4b:s10+s3] =	stream.linear.scatter [tilespmem:s7], [sflag:$0x2], $0x1000, $0x38;
	[tilespmem:$0x1080] =	vst v63  }
0x34: {  	_ =	swait.ge [sflag:s4], $0x1000  }
0x35: {  	[sflag:s4] =	ssyncset.done $0x0  }
.LBB2_3:
0x36: {  	[sflag:s4] =	ssyncadd.s32 $0xFFFFF000  }
.LBB2_4:
0x37: {  	_ =	sfence.sel $0x180000  }
0x38: {  	[bflag:$0x0] =	sbarrier.arrive $0xFFFF  }
0x39: {  	p0 =	sne.s32 s1, $0x0;
	_ =	strace $0x90000047  }
0x3a: {  	s0 =	sadd.s32 @!p0 $0x100000, s0;
	[bflag:$0x2] =	sbarrier.arrive $0xFFFF  }
0x3b: {  	[sflag:s0] =	ssyncadd.tile.s32 @!p0 $0x1;
	_ =	shalt  }
.Lfunc_end2:
_tile_overlayer_lowered:
.L_overlay_start_2:
0x3c: {  	(tag) =	ssettag $0x2  }
0x3d: {  	s0 =	rddreg [dreg:$0x0];
	s2 =	stileid.u32  }
0x3e: {  	s1 =	rddreg [dreg:$0x1];
	p0 =	sne.s32 s2, $0x0  }
0x3f: {  	s3 =	rddreg [dreg:$0x2];
	[bflag:$0x3] =	sbarrier.arrive $0xFFFF;
	s2 =	simm.s32 @!p0 $0x1C02  }
0x40: {  	[timem:s3], [sflag:s2] =	dma.local @!p0 [hbm:s0], s1  }
0x41: {  	s0 =	simm.s32 @!p0 $0x2  }
0x42: {  	_ =	swait.ge @!p0 [sflag:s0], s1  }
0x43: {  	s1 =	ssub.s32 @!p0 $0x0, s1;
	[sflag:s0] =	ssyncset.done @!p0 $0x0  }
0x44: {  	[sflag:s0] =	ssyncadd.s32 @!p0 s1  }
0x45: {  	[bflag:$0x3] =	sbarrier.arrive $0xFFFF  }
0x46: {  	_ =	shalt  }

</sc_bundles>
